<compile_context>
chip_gen: v7x
topology: tpu7x:2x2x1
jax: 0.10.2.dev20260603
libtpu: 0.0.44.dev20260713+nightly
codegen_flags: <defaults>
</compile_context>

<pallas_src>
import functools

import jax
import jax.numpy as jnp
from jax import lax
from jax.experimental import pallas as pl
from jax.experimental.pallas import tpu as pltpu
from jax.experimental.pallas import tpu_sc as plsc

_NC = 2
_NS = 16
_NW = _NC * _NS
_L = 16

_B = 16384
_BPW = _B // _NW
_NV = _BPW // _L

_UROWS = 1500
_VROWS = 2000
_D = 3
_TAB = (_UROWS + _VROWS) * _D
_TABPAD = _TAB + 4


@functools.partial(
    pl.kernel,
    out_type=jax.ShapeDtypeStruct((_B,), jnp.float32),
    mesh=plsc.VectorSubcoreMesh(core_axis_name="c", subcore_axis_name="s"),
    compiler_params=pltpu.CompilerParams(
        needs_layout_passes=False, use_tc_tiling_on_sc=False),
    scratch_types=[
        pltpu.VMEM((_TAB,), jnp.int32),
        pltpu.VMEM((_BPW,), jnp.int32),
        pltpu.VMEM((_BPW,), jnp.int32),
        pltpu.VMEM((_BPW,), jnp.float32),
        pltpu.SemaphoreType.DMA,
    ],
)
def _mf_kernel(buf_hbm, out_hbm, tab_v, ui_v, vi_v, out_v, sem):
    wid = lax.axis_index("s") * _NC + lax.axis_index("c")
    base = wid * _BPW

    ct = pltpu.make_async_copy(buf_hbm.at[pl.ds(0, _TAB)], tab_v, sem)
    ci = pltpu.make_async_copy(
        buf_hbm.at[pl.ds(_TABPAD + base, _BPW)], ui_v, sem)
    cj = pltpu.make_async_copy(
        buf_hbm.at[pl.ds(_TABPAD + _B + base, _BPW)], vi_v, sem)
    ct.start()
    ci.start()
    cj.start()
    ct.wait()
    ci.wait()
    cj.wait()

    @plsc.parallel_loop(0, _NV)
    def _(i):
        off = pl.multiple_of(i * _L, _L)
        ub = ui_v[pl.ds(off, _L)] * _D
        vb = vi_v[pl.ds(off, _L)] * _D + (_UROWS * _D)
        acc = None
        for d in range(_D):
            u = plsc.bitcast(plsc.load_gather(tab_v, [ub + d]), jnp.float32)
            v = plsc.bitcast(plsc.load_gather(tab_v, [vb + d]), jnp.float32)
            acc = u * v if acc is None else acc + u * v
        out_v[pl.ds(off, _L)] = acc

    pltpu.sync_copy(out_v, out_hbm.at[pl.ds(base, _BPW)])


def kernel(data, user_factors, item_factors):
    buf = jnp.concatenate([
        jax.lax.bitcast_convert_type(user_factors, jnp.int32).reshape(-1),
        jax.lax.bitcast_convert_type(item_factors, jnp.int32).reshape(-1),
        jnp.zeros((_TABPAD - _TAB,), jnp.int32),
        data.astype(jnp.int32).reshape(-1),
    ])
    return _mf_kernel(buf)

# --- scband reference (transcript-rebuilt; emitter-appended) ---
"""Pipeline reference for scband-matrix-factorization-65395172049593 (READ-ONLY COPY).

The authoritative reference and input builder live on the scoring server;
editing this copy changes nothing except your own understanding.
"""

import jax, jax.numpy as jnp
import numpy as np


def setup_inputs(seed: int = 0) -> dict:
    key = jax.random.key(seed)
    k1, k2, k3 = jax.random.split(key, 3)
    data = jax.random.randint(k1, (2, 16384), 0, 1500, dtype=jnp.int64)
    user_factors = jax.random.normal(k2, (1500, 3), dtype=jnp.float32)
    item_factors = jax.random.normal(k3, (2000, 3), dtype=jnp.float32)
    return {"data": data, "user_factors": user_factors, "item_factors": item_factors}


def reference(data, user_factors, item_factors):
    user = data[0]
    item = data[1]
    u = jnp.take(user_factors, user, axis=0)
    v = jnp.take(item_factors, item, axis=0)
    return (u * v).sum(1)

if __name__ == "__main__":
    import jax
    _d = setup_inputs()
    print(jax.jit(kernel)(*tuple(_d.values())))

</pallas_src>

<mosaic_0001>
#map = affine_map<(d0, d1) -> (0)>
module attributes {stable_mosaic.version = 14 : i64} {
  func.func @_mf_kernel(%arg0: i32, %arg1: i32, %arg2: memref<43272xi32, #tpu.memory_space<hbm>>, %arg3: memref<16384xf32, #tpu.memory_space<hbm>>, %arg4: memref<10500xi32, #tpu.memory_space<vmem>>, %arg5: memref<512xi32, #tpu.memory_space<vmem>>, %arg6: memref<512xi32, #tpu.memory_space<vmem>>, %arg7: memref<512xf32, #tpu.memory_space<vmem>>, %arg8: memref<!tpu.dma_semaphore, #tpu.memory_space<semaphore_mem>>) attributes {dimension_semantics = [#tpu.dimension_semantics<core_parallel>, #tpu.dimension_semantics<subcore_parallel>], iteration_bounds = array<i64: 2, 16>, scalar_prefetch = 0 : i64, scratch_operands = 5 : i64, tpu.core_type = #tpu.core_type<sc_vector_subcore>, window_params = [{transform_indices = #map}, {transform_indices = #map}]} {
    %mul3A = arith.constant 2 : i32
    %mul3A_0 = arith.muli %arg1, %mul3A : i32
    %add3A = arith.addi %mul3A_0, %arg0 : i32
    %mul3A_1 = arith.constant 512 : i32
    %mul3A_2 = arith.muli %add3A, %mul3A_1 : i32
    %add3A_3 = arith.constant 10504 : i32
    %add3A_4 = arith.addi %add3A_3, %mul3A_2 : i32
    %add3A_5 = arith.constant 26888 : i32
    %add3A_6 = arith.addi %add3A_5, %mul3A_2 : i32
    %dma_start3A = arith.constant 0 : i32
    %dma_start3A_7 = tpu.memref_slice %arg2[%dma_start3A] : memref<43272xi32, #tpu.memory_space<hbm>> -> memref<10500xi32, #tpu.memory_space<hbm>>
    %dma_start3A_8 = arith.constant 0 : i32
    %dma_start3A_9 = tpu.memref_slice %arg2[%dma_start3A_8] : memref<43272xi32, #tpu.memory_space<hbm>> -> memref<10500xi32, #tpu.memory_space<hbm>>
    tpu.enqueue_dma source(%dma_start3A_9 : memref<10500xi32, #tpu.memory_space<hbm>>) target(%arg4 : memref<10500xi32, #tpu.memory_space<vmem>>) target_semaphore(%arg8 : memref<!tpu.dma_semaphore, #tpu.memory_space<semaphore_mem>>)
    %dma_start3A_10 = tpu.memref_slice %arg2[%add3A_4] : memref<43272xi32, #tpu.memory_space<hbm>> -> memref<512xi32, #tpu.memory_space<hbm>>
    %dma_start3A_11 = tpu.memref_slice %arg2[%add3A_4] : memref<43272xi32, #tpu.memory_space<hbm>> -> memref<512xi32, #tpu.memory_space<hbm>>
    tpu.enqueue_dma source(%dma_start3A_11 : memref<512xi32, #tpu.memory_space<hbm>>) target(%arg5 : memref<512xi32, #tpu.memory_space<vmem>>) target_semaphore(%arg8 : memref<!tpu.dma_semaphore, #tpu.memory_space<semaphore_mem>>)
    %dma_start3A_12 = tpu.memref_slice %arg2[%add3A_6] : memref<43272xi32, #tpu.memory_space<hbm>> -> memref<512xi32, #tpu.memory_space<hbm>>
    %dma_start3A_13 = tpu.memref_slice %arg2[%add3A_6] : memref<43272xi32, #tpu.memory_space<hbm>> -> memref<512xi32, #tpu.memory_space<hbm>>
    tpu.enqueue_dma source(%dma_start3A_13 : memref<512xi32, #tpu.memory_space<hbm>>) target(%arg6 : memref<512xi32, #tpu.memory_space<vmem>>) target_semaphore(%arg8 : memref<!tpu.dma_semaphore, #tpu.memory_space<semaphore_mem>>)
    %dma_wait3A = arith.constant 0 : i32
    %dma_wait3A_14 = tpu.memref_slice %arg2[%dma_wait3A] : memref<43272xi32, #tpu.memory_space<hbm>> -> memref<10500xi32, #tpu.memory_space<hbm>>
    %dma_wait3A_15 = arith.constant 0 : i32
    %dma_wait3A_16 = tpu.memref_slice %arg2[%dma_wait3A_15] : memref<43272xi32, #tpu.memory_space<hbm>> -> memref<10500xi32, #tpu.memory_space<hbm>>
    tpu.wait_dma2 semaphore(%arg8 : memref<!tpu.dma_semaphore, #tpu.memory_space<semaphore_mem>>) src(%dma_wait3A_16 : memref<10500xi32, #tpu.memory_space<hbm>>) dst(%arg4 : memref<10500xi32, #tpu.memory_space<vmem>>)
    %dma_wait3A_17 = tpu.memref_slice %arg2[%add3A_4] : memref<43272xi32, #tpu.memory_space<hbm>> -> memref<512xi32, #tpu.memory_space<hbm>>
    %dma_wait3A_18 = tpu.memref_slice %arg2[%add3A_4] : memref<43272xi32, #tpu.memory_space<hbm>> -> memref<512xi32, #tpu.memory_space<hbm>>
    tpu.wait_dma2 semaphore(%arg8 : memref<!tpu.dma_semaphore, #tpu.memory_space<semaphore_mem>>) src(%dma_wait3A_18 : memref<512xi32, #tpu.memory_space<hbm>>) dst(%arg5 : memref<512xi32, #tpu.memory_space<vmem>>)
    %dma_wait3A_19 = tpu.memref_slice %arg2[%add3A_6] : memref<43272xi32, #tpu.memory_space<hbm>> -> memref<512xi32, #tpu.memory_space<hbm>>
    %dma_wait3A_20 = tpu.memref_slice %arg2[%add3A_6] : memref<43272xi32, #tpu.memory_space<hbm>> -> memref<512xi32, #tpu.memory_space<hbm>>
    tpu.wait_dma2 semaphore(%arg8 : memref<!tpu.dma_semaphore, #tpu.memory_space<semaphore_mem>>) src(%dma_wait3A_20 : memref<512xi32, #tpu.memory_space<hbm>>) dst(%arg6 : memref<512xi32, #tpu.memory_space<vmem>>)
    %parallel_loop3A = arith.constant 0 : i32
    %parallel_loop3A_21 = arith.constant 32 : i32
    %parallel_loop3A_22 = arith.constant 1 : i32
    scf.for %parallel_loop3A_23 = %parallel_loop3A to %parallel_loop3A_21 step %parallel_loop3A_22  : i32 {
      %parallel_loop3A_24 = arith.constant 16 : i32
      %parallel_loop3A_25 = arith.muli %parallel_loop3A_23, %parallel_loop3A_24 : i32
      %parallel_loop3A_26 = tpu.assume_multiple %parallel_loop3A_25, 16 : i32
      %parallel_loop3A_27 = arith.index_cast %parallel_loop3A_26 : i32 to index
      %parallel_loop3A_28 = tpu.vector_load %arg5[%parallel_loop3A_27] {strides = array<i32>} : memref<512xi32, #tpu.memory_space<vmem>>, vector<16xi32>,
      %parallel_loop3A_29 = arith.constant 3 : i32
      %parallel_loop3A_30 = vector.broadcast %parallel_loop3A_29 : i32 to vector<16xi32>
      %parallel_loop3A_31 = arith.muli %parallel_loop3A_28, %parallel_loop3A_30 : vector<16xi32>
      %parallel_loop3A_32 = arith.index_cast %parallel_loop3A_26 : i32 to index
      %parallel_loop3A_33 = tpu.vector_load %arg6[%parallel_loop3A_32] {strides = array<i32>} : memref<512xi32, #tpu.memory_space<vmem>>, vector<16xi32>,
      %parallel_loop3A_34 = arith.constant 3 : i32
      %parallel_loop3A_35 = vector.broadcast %parallel_loop3A_34 : i32 to vector<16xi32>
      %parallel_loop3A_36 = arith.muli %parallel_loop3A_33, %parallel_loop3A_35 : vector<16xi32>
      %parallel_loop3A_37 = arith.constant 4500 : i32
      %parallel_loop3A_38 = vector.broadcast %parallel_loop3A_37 : i32 to vector<16xi32>
      %parallel_loop3A_39 = arith.addi %parallel_loop3A_36, %parallel_loop3A_38 : vector<16xi32>
      %parallel_loop3A_40 = arith.constant 0 : i32
      %parallel_loop3A_41 = vector.broadcast %parallel_loop3A_40 : i32 to vector<16xi32>
      %parallel_loop3A_42 = arith.addi %parallel_loop3A_31, %parallel_loop3A_41 : vector<16xi32>
      %parallel_loop3A_43 = tpu.vector_load_idx %arg4[%parallel_loop3A_42] : memref<10500xi32, #tpu.memory_space<vmem>>[vector<16xi32>], vector<16xi32>,
      %parallel_loop3A_44 = vector.bitcast %parallel_loop3A_43 : vector<16xi32> to vector<16xf32>
      %parallel_loop3A_45 = arith.constant 0 : i32
      %parallel_loop3A_46 = vector.broadcast %parallel_loop3A_45 : i32 to vector<16xi32>
      %parallel_loop3A_47 = arith.addi %parallel_loop3A_39, %parallel_loop3A_46 : vector<16xi32>
      %parallel_loop3A_48 = tpu.vector_load_idx %arg4[%parallel_loop3A_47] : memref<10500xi32, #tpu.memory_space<vmem>>[vector<16xi32>], vector<16xi32>,
      %parallel_loop3A_49 = vector.bitcast %parallel_loop3A_48 : vector<16xi32> to vector<16xf32>
      %parallel_loop3A_50 = arith.mulf %parallel_loop3A_44, %parallel_loop3A_49 : vector<16xf32>
      %parallel_loop3A_51 = arith.constant 1 : i32
      %parallel_loop3A_52 = vector.broadcast %parallel_loop3A_51 : i32 to vector<16xi32>
      %parallel_loop3A_53 = arith.addi %parallel_loop3A_31, %parallel_loop3A_52 : vector<16xi32>
      %parallel_loop3A_54 = tpu.vector_load_idx %arg4[%parallel_loop3A_53] : memref<10500xi32, #tpu.memory_space<vmem>>[vector<16xi32>], vector<16xi32>,
      %parallel_loop3A_55 = vector.bitcast %parallel_loop3A_54 : vector<16xi32> to vector<16xf32>
      %parallel_loop3A_56 = arith.constant 1 : i32
      %parallel_loop3A_57 = vector.broadcast %parallel_loop3A_56 : i32 to vector<16xi32>
      %parallel_loop3A_58 = arith.addi %parallel_loop3A_39, %parallel_loop3A_57 : vector<16xi32>
      %parallel_loop3A_59 = tpu.vector_load_idx %arg4[%parallel_loop3A_58] : memref<10500xi32, #tpu.memory_space<vmem>>[vector<16xi32>], vector<16xi32>,
      %parallel_loop3A_60 = vector.bitcast %parallel_loop3A_59 : vector<16xi32> to vector<16xf32>
      %parallel_loop3A_61 = arith.mulf %parallel_loop3A_55, %parallel_loop3A_60 : vector<16xf32>
      %parallel_loop3A_62 = arith.addf %parallel_loop3A_50, %parallel_loop3A_61 : vector<16xf32>
      %parallel_loop3A_63 = arith.constant 2 : i32
      %parallel_loop3A_64 = vector.broadcast %parallel_loop3A_63 : i32 to vector<16xi32>
      %parallel_loop3A_65 = arith.addi %parallel_loop3A_31, %parallel_loop3A_64 : vector<16xi32>
      %parallel_loop3A_66 = tpu.vector_load_idx %arg4[%parallel_loop3A_65] : memref<10500xi32, #tpu.memory_space<vmem>>[vector<16xi32>], vector<16xi32>,
      %parallel_loop3A_67 = vector.bitcast %parallel_loop3A_66 : vector<16xi32> to vector<16xf32>
      %parallel_loop3A_68 = arith.constant 2 : i32
      %parallel_loop3A_69 = vector.broadcast %parallel_loop3A_68 : i32 to vector<16xi32>
      %parallel_loop3A_70 = arith.addi %parallel_loop3A_39, %parallel_loop3A_69 : vector<16xi32>
      %parallel_loop3A_71 = tpu.vector_load_idx %arg4[%parallel_loop3A_70] : memref<10500xi32, #tpu.memory_space<vmem>>[vector<16xi32>], vector<16xi32>,
      %parallel_loop3A_72 = vector.bitcast %parallel_loop3A_71 : vector<16xi32> to vector<16xf32>
      %parallel_loop3A_73 = arith.mulf %parallel_loop3A_67, %parallel_loop3A_72 : vector<16xf32>
      %parallel_loop3A_74 = arith.addf %parallel_loop3A_62, %parallel_loop3A_73 : vector<16xf32>
      %parallel_loop3A_75 = arith.index_cast %parallel_loop3A_26 : i32 to index
      %parallel_loop3A_76 = tpu.vector_load %arg7[%parallel_loop3A_75] {strides = array<i32>} : memref<512xf32, #tpu.memory_space<vmem>>, vector<16xf32>,
      tpu.vector_store %arg7[%parallel_loop3A_75], %parallel_loop3A_74 {strides = array<i32>} : memref<512xf32, #tpu.memory_space<vmem>>, vector<16xf32>,
    } {sc.loop_unroll_factor = 1 : i64, sc.parallel_access}
    "tpu.region"() ({
      %run_scoped3A = tpu.sem_alloc : memref<!tpu.dma_semaphore, #tpu.memory_space<semaphore_mem>>
      %dma_start3A_23 = tpu.memref_slice %arg3[%mul3A_2] : memref<16384xf32, #tpu.memory_space<hbm>> -> memref<512xf32, #tpu.memory_space<hbm>>
      %dma_start3A_24 = tpu.memref_slice %arg3[%mul3A_2] : memref<16384xf32, #tpu.memory_space<hbm>> -> memref<512xf32, #tpu.memory_space<hbm>>
      tpu.enqueue_dma source(%arg7 : memref<512xf32, #tpu.memory_space<vmem>>) target(%dma_start3A_24 : memref<512xf32, #tpu.memory_space<hbm>>) target_semaphore(%run_scoped3A : memref<!tpu.dma_semaphore, #tpu.memory_space<semaphore_mem>>)
      %dma_wait3A_25 = tpu.memref_slice %arg3[%mul3A_2] : memref<16384xf32, #tpu.memory_space<hbm>> -> memref<512xf32, #tpu.memory_space<hbm>>
      %dma_wait3A_26 = tpu.memref_slice %arg3[%mul3A_2] : memref<16384xf32, #tpu.memory_space<hbm>> -> memref<512xf32, #tpu.memory_space<hbm>>
      tpu.wait_dma2 semaphore(%run_scoped3A : memref<!tpu.dma_semaphore, #tpu.memory_space<semaphore_mem>>) src(%arg7 : memref<512xf32, #tpu.memory_space<vmem>>) dst(%dma_wait3A_26 : memref<512xf32, #tpu.memory_space<hbm>>)
      tpu.yield
    }) : () -> ()
    return
  }
}

</mosaic_0001>

<sc_bundles>
// kernel: kernel.3.cloned.1.call-start
scs
__scs_entry_jumppad:
0x0: {  	(pc) =	sbr.rel $0x88, $3  }
0x1: {  	(tag) =	ssettag $0x0;
	lr =	simm.s32 $0x1  }
0x2: {  	[smem:$0x3F9E] =	sst lr;
	_ =	strace $0xD0000000  }
0x3: {  	_ = 	snop  }
0x4: {  	_ = 	snop  }
0x5: {  	_ = 	snop  }
0x6: {  	_ = 	snop  }
0x7: {  	_ = 	snop  }
__scs_overlays_trampoline_lowered:
0x8: {  	[smem:$0x3FAD] =	sst s0  }
0x9: {  	[smem:$0x3FAE] =	sst s1  }
0xa: {  	[smem:$0x3FAF] =	sst s2  }
0xb: {  	[smem:$0x3FB0] =	sst s3  }
0xc: {  	[smem:$0x3FB1] =	sst s4  }
0xd: {  	[smem:$0x3FB2] =	sst s5  }
0xe: {  	[smem:$0x3FB3] =	sst s6  }
0xf: {  	[smem:$0x3FB4] =	sst s7  }
0x10: {  	[smem:$0x3FB5] =	sst s8  }
0x11: {  	[smem:$0x3FB6] =	sst s9;
	s0 =	simm.s32 @!p0 $0x0  }
0x12: {  	s1 =	sld [smem:$0x3F9C];
	s0 =	simm.s32 @p0 $0x1  }
0x13: {  	[smem:$0x3FB7] =	sst s0;
	s0 =	simm.s32 @!p1 $0x0  }
0x14: {  	s2 =	sld [smem:$0x3F9B];
	s0 =	simm.s32 @p1 $0x1  }
0x15: {  	[smem:$0x3FB8] =	sst s0;
	s0 =	simm.s32 @!p2 $0x0  }
0x16: {  	s3 =	sld [smem:$0x3FDB];
	s0 =	simm.s32 @p2 $0x1  }
0x17: {  	s4 =	simm.s32 $0x1BF5;
	[smem:$0x3FBA] =	sst s0  }
0x18: {  	s0 =	sld [smem:$0x3F9D];
	_ =	swait.ge [sflag:s4], $0x0  }
0x19: {  	s7 =	sld [smem:$0x3F9E]  }
0x1a: {  	s8 =	sadd.s32 $0xFFFFE003, lr  }
0x1b: {  	s9 =	sadd.s32 $0xFFFFFEF7, lr;
	s5 =	simm.s32 $0xFFFFFFFF;
	p2 =	slt.u32 s8, $0xFFFFF086  }
0x1c: {  	p1 =	slt.u32 s9, $0xF7A;
	s5 =	simm.s32 @!p2 $0x0  }
0x1d: {  	s5 =	simm.s32 @p1 $0x1;
	p0 =	seq.s32 s7, s2  }
0x1e: {  	s7 =	smul.u32 @!p0 $0xF7A, s2;
	p2 =	seq.s32 @!p0 s5, $0x0  }
0x1f: {  	s9 =	smul.u32 $0xF7A, s1;
	s8 =	simm.s32 @!p0 $0x1BF5;
	p2 =	por !p2, p0  }
0x20: {  	[sflag:s8] =	ssyncset.s32 @!p0 $0xFFFFF086;
	s6 =	sadd.s32 @!p0 s3, s7;
	s7 =	simm.s32 @!p0 $0x108  }
0x21: {  	s3 =	sadd.s32 s3, s9;
	s6 =	sadd.s32 @!p0 $0x88, s6;
	s7 =	simm.s32 @p2 $0x1082  }
0x22: {  	[simem:s7], [sflag:s8] =	dma.local @!p0 [hbm:s6], $0xF7A  }
0x23: {  	s9 =	sor.u32 $0xD0000000, s2;
	s6 =	simm.s32 $0x108;
	_ =	swait.ge @!p0 [sflag:s8], $0x0  }
0x24: {  	s3 =	sadd.s32 $0x88, s3;
	s6 =	simm.s32 @!p1 $0x1082;
	[sflag:s4] =	ssyncset.s32 $0xFFFFF086  }
0x25: {  	[simem:s6], [sflag:s4] =	dma.local [hbm:s3], $0xF7A  }
0x26: {  	[smem:$0x3F9E] =	sst s1;
	(tag) =	ssettag s2;
	_ =	strace s9  }
0x27: {  	s1 =	sld [smem:$0x3FAE]  }
0x28: {  	s2 =	sld [smem:$0x3FAF]  }
0x29: {  	s4 =	sld [smem:$0x3FB1]  }
0x2a: {  	p0 =	seq.s32 s5, $0x0;
	s5 =	sld [smem:$0x3FB2]  }
0x2b: {  	s6 =	sld [smem:$0x3FB3]  }
0x2c: {  	s7 =	sld [smem:$0x3FB4]  }
0x2d: {  	s3 =	simm.s32 $0x108;
	s8 =	sld [smem:$0x3FB5]  }
0x2e: {  	s3 =	simm.s32 @!p0 $0x1082;
	s9 =	sld [smem:$0x3FB6]  }
0x2f: {  	lr =	sadd.s32 s0, s3;
	s0 =	sld [smem:$0x3FAD]  }
0x30: {  	s3 =	sld [smem:$0x3FB0]  }
0x31: {  	[smem:$0x3FB9] =	sst s10  }
0x32: {  	s10 =	sld [smem:$0x3FB7];
	_ =	sdelay $0x3  }
0x33: {  	p0 =	seq.s32 s10, $0x1;
	s10 =	sld [smem:$0x3FB9];
	_ =	sdelay $0x3  }
0x34: {  	[smem:$0x3FB9] =	sst s10  }
0x35: {  	s10 =	sld [smem:$0x3FB8];
	_ =	sdelay $0x3  }
0x36: {  	p1 =	seq.s32 s10, $0x1;
	s10 =	sld [smem:$0x3FB9];
	_ =	sdelay $0x3  }
0x37: {  	[smem:$0x3FB9] =	sst s10  }
0x38: {  	s10 =	sld [smem:$0x3FBA]  }
0x39: {  	_ = 	snop;
	(pc) =	sbr.ind lr, $3  }
0x3a: {  	_ = 	snop  }
0x3b: {  	_ = 	snop  }
0x3c: {  	p2 =	seq.s32 s10, $0x1;
	s10 =	sld [smem:$0x3FB9]  }
0x3d: {  	_ =	shalt  }
0x3e: {  	_ =	shalt  }
0x3f: {  	_ =	shalt  }
0x40: {  	_ =	shalt  }
0x41: {  	_ =	shalt  }
0x42: {  	_ =	shalt  }
0x43: {  	_ =	shalt  }
0x44: {  	_ =	shalt  }
0x45: {  	_ =	shalt  }
0x46: {  	_ =	shalt  }
0x47: {  	_ =	shalt  }
0x48: {  	_ =	shalt  }
0x49: {  	_ =	shalt  }
0x4a: {  	_ =	shalt  }
0x4b: {  	_ =	shalt  }
0x4c: {  	_ =	shalt  }
0x4d: {  	_ =	shalt  }
0x4e: {  	_ =	shalt  }
0x4f: {  	_ =	shalt  }
0x50: {  	_ =	shalt  }
0x51: {  	_ =	shalt  }
0x52: {  	_ =	shalt  }
0x53: {  	_ =	shalt  }
0x54: {  	_ =	shalt  }
0x55: {  	_ =	shalt  }
0x56: {  	_ =	shalt  }
0x57: {  	_ =	shalt  }
0x58: {  	_ =	shalt  }
0x59: {  	_ =	shalt  }
0x5a: {  	_ =	shalt  }
0x5b: {  	_ =	shalt  }
0x5c: {  	_ =	shalt  }
0x5d: {  	_ =	shalt  }
0x5e: {  	_ =	shalt  }
0x5f: {  	_ =	shalt  }
0x60: {  	_ =	shalt  }
0x61: {  	_ =	shalt  }
0x62: {  	_ =	shalt  }
0x63: {  	_ =	shalt  }
0x64: {  	_ =	shalt  }
0x65: {  	_ =	shalt  }
0x66: {  	_ =	shalt  }
0x67: {  	_ =	shalt  }
0x68: {  	_ =	shalt  }
0x69: {  	_ =	shalt  }
0x6a: {  	_ =	shalt  }
0x6b: {  	_ =	shalt  }
0x6c: {  	_ =	shalt  }
0x6d: {  	_ =	shalt  }
0x6e: {  	_ =	shalt  }
0x6f: {  	_ =	shalt  }
0x70: {  	_ =	shalt  }
0x71: {  	_ =	shalt  }
0x72: {  	_ =	shalt  }
0x73: {  	_ =	shalt  }
0x74: {  	_ =	shalt  }
0x75: {  	_ =	shalt  }
0x76: {  	_ =	shalt  }
0x77: {  	_ =	shalt  }
0x78: {  	_ =	shalt  }
0x79: {  	_ =	shalt  }
0x7a: {  	_ =	shalt  }
0x7b: {  	_ =	shalt  }
0x7c: {  	_ =	shalt  }
0x7d: {  	_ =	shalt  }
0x7e: {  	_ =	shalt  }
0x7f: {  	_ =	shalt  }
0x80: {  	_ =	shalt  }
0x81: {  	_ =	shalt  }
0x82: {  	_ =	shalt  }
0x83: {  	_ =	shalt  }
0x84: {  	_ =	shalt  }
0x85: {  	_ =	shalt  }
0x86: {  	_ =	shalt  }
0x87: {  	_ =	shalt  }
.Lfunc_end0:
.L_simem_size_0:
called_computation_lowered:
.L_overlay_start_0:
0x88: {  	s2 =	sld [smem:$0x3FD9]  }
0x89: {  	s3 =	sld [smem:$0x3FFE];
	_ =	sdelay $0x1  }
0x8a: {  	s1 =	srdreg.scid  }
0x8b: {  	s0 =	sand.u32 $0x1, s1  }
0x8c: {  	s17 =	sshll.u32 s0, $0xA;
	s2 =	sadd.s32 s3, s2  }
0x8d: {  	s2 =	sadd.s32 s2, s17  }
0x8e: {  	[smem:$0x3FC5] =	sst s2  }
0x8f: {  	_ = 	snop  }
0x90: {  	s2 =	sld [smem:$0x3FD0];
	(tm) =	ssettm $0x1  }
0x91: {  	s18 =	sld [smem:$0x3FFB];
	_ =	sdelay $0x3  }
0x92: {  	_ =	strace s18  }
0x93: {  	s3 =	sld [smem:$0x3FFC];
	_ =	sdelay $0x3  }
0x94: {  	_ =	strace s3  }
0x95: {  	s3 =	sld [smem:$0x3FFD];
	_ =	sdelay $0x3  }
0x96: {  	_ =	strace s3  }
0x97: {  	_ =	strace $0x8FFFFFFF  }
0x98: {  	s19 =	sld [smem:$0x3FDB];
	_ =	sdelay $0x1  }
0x99: {  	s4 =	simm.s32 $_scs_section_size  }
0x9a: {  	s5 =	simm.s32 $_size__tile_overlayer_lowered;
	s6 =	simm.s32 $_tile_overlayer_lowered  }
0x9b: {  	s22 =	simm.s32 $0x1BFF;
	s21 =	sshll.u32 s6, $0x1;
	s3 =	sadd.s32 s4, s19  }
0x9c: {  	s7 =	simm.s32 $0x0;
	s20 =	sshll.u32 s5, $0x1;
	s5 =	sadd.s32 s21, s3  }
0x9d: {  	[timem:s7], [sflag:s22] =	dma.local [hbm:s5], s20  }
0x9e: {  	_ =	swait.ge [sflag:s22], s20  }
0x9f: {  	s4 =	ssub.s32 $0x0, s20;
	[sflag:s22] =	ssyncset.done $0x0  }
0xa0: {  	[sflag:s22] =	ssyncadd.s32 s4;
	_ =	sdelay $0x1  }
0xa1: {  	s23 =	simm.s32 $0x1B8B  }
0xa2: {  	_ =	swait.ge [sflag:s23], $0x1  }
0xa3: {  	[sflag:s23] =	ssyncset.done $0x0  }
0xa4: {  	s25 =	simm.s32 $0x1B8E;
	s24 =	sld [smem:$0x3FFE];
	[sflag:s23] =	ssyncadd.s32 $0xFFFFFFFF  }
0xa5: {  	s26 =	simm.s32 $execute0_lowered;
	[smem:$0x3FD2] =	sst s25  }
0xa6: {  	s5 =	sshll.u32 s26, $0x1;
	_ =	strace $0x80000046;
	[dreg:$0x1] =	wrdreg $0xFFFFFFFF  }
0xa7: {  	s28 =	simm.s32 $_size_execute0_lowered;
	s3 =	sadd.s32 s3, s5;
	[dreg:$0x0] =	wrdreg $0x0  }
0xa8: {  	s5 =	sshll.u32 s28, $0x1;
	[dreg:$0x2] =	wrdreg s3  }
0xa9: {  	[dreg:$0x3] =	wrdreg s5  }
0xaa: {  	[dreg:$0x4] =	wrdreg $0xC0  }
0xab: {  	_ =	task [dreg:s7], $0x5FFFF  }
0xac: {  	[dreg:$0x1] =	wrdreg $0xFFFFFFFF  }
0xad: {  	[dreg:$0x0] =	wrdreg $0x60  }
0xae: {  	[dreg:$0x2] =	wrdreg s24  }
0xaf: {  	[dreg:$0x3] =	wrdreg s2  }
0xb0: {  	[dreg:$0x4] =	wrdreg $0x9  }
0xb1: {  	_ =	task.clear_ibuf [dreg:s7], $0x5FFFF;
	_ =	strace $0x90000046  }
0xb2: {  	s29 =	simm.s32 $0x9;
	_ =	strace $0x80000048  }
0xb3: {  	_ =	swait.ge [sflag:s29], $0x1  }
0xb4: {  	[sflag:s29] =	ssyncadd.s32 $0xFFFFFFFF  }
0xb5: {  	_ =	strace $0x90000048  }
0xb6: {  	_ =	sfence  }
0xb7: {  	s30 =	sld [smem:$0x0];
	_ =	sdelay $0x2  }
0xb8: {  	s31 =	sshll.u32 s1, $0xD;
	s1 =	sshrl.u32 s1, $0x2  }
0xb9: {  	s3 =	sand.u32 $0x4000, s31;
	s1 =	sadd.s32 s1, s30  }
0xba: {  	s0 =	sor.u32 s3, s0;
	s1 =	sshll.u32 s1, $0x11  }
0xbb: {  	s0 =	sor.u32 s1, s0  }
0xbc: {  	s0 =	sadd.s32 $0x8F2B, s0  }
0xbd: {  	[sflag:s0] =	ssyncadd.remote.s32 $0x1  }
0xbe: {  	_ =	sfence.sel $0xFFFF  }
0xbf: {  	[dreg:$0x0] =	wrdreg $0xFFFFFFFF;
	(pc) =	sbr.abs _section_cstart, $3  }
0xc0: {  	[dreg:$0x1] =	wrdreg $0xFFFFFFFF  }
0xc1: {  	_ =	task.clear_ibuf [dreg:s7], $0x2FFFF;
	_ =	strace $0x9FFFFFFF  }
0xc2: {  	(tm) =	ssettm $0x7FFFFFFF  }
0xc3: {  	_ =	shalt  }
tec
execute0_lowered:
.L_overlay_start_1:
0x0: {  	(tag) =	ssettag $0x1  }
0x1: {  	s3 =	rddreg [dreg:$0x0]  }
0x2: {  	s6 =	rddreg [dreg:$0x1]  }
0x3: {  	s0 =	rddreg [dreg:$0x2];
	s4 =	srdreg.scid  }
0x4: {  	s2 =	simm.s32 $0x0;
	s1 =	stileid.u32;
	s10 =	simm.s32 $0x1  }
0x5: {  	s11 =	simm.s32 $0x2D08;
	s12 =	simm.s32 $0x2;
	s13 =	simm.s32 $0x0  }
0x6: {  	s4 =	sand.u32 $0x1, s4;
	[smem:$0x7FF] =	sst s2;
	s5 =	sshll.u32 s1, $0xA  }
0x7: {  	s3 =	sadd.s32 $0x800, s3;
	s7 =	sshll.u32 s4, $0x9;
	s4 =	ssub.s32 $0x2, s4  }
0x8: {  	_ =	strace $0x80000047;
	s5 =	sor.u32 s7, s5;
	s28 =	sshrl.u32 s4, $0x1  }
0x9: {  	s8 =	sadd.s32 $0x2908, s5;
	s7 =	ssub.s32 s4, s28;
	s9 =	sadd.s32 $0x6908, s5  }
0xa: {  	s31 =	sshrl.u32 s5, $0x3;
	s29 =	sshrl.u32 s8, $0x3;
	s30 =	sshrl.u32 s9, $0x3  }
0xb: {  	s6 =	sadd.s32 s6, s31;
	s7 =	smax.u32 s7, $0x1;
	s8 =	simm.s32 $0x2908  }
0xc: {  	s9 =	simm.s32 $0x2B08;
	s4 =	sadd.s32 s3, s29;
	s5 =	sadd.s32 s3, s30  }
.LBB2_1:
0xd: {  	[tilespmem:s2], [sflag:$0x1] =	stream.linear.gather [hbm4b:s3+s2], $0x2904, $0x38;
	[tilespmem:$0x2F08] =	vst v63  }
0xe: {  	_ = 	snop  }
0xf: {  	[tilespmem:s8], [sflag:$0x1] =	stream.linear.gather [hbm4b:s4+s2], $0x200, $0x38;
	[tilespmem:$0x2F08] =	vst v63  }
0x10: {  	_ = 	snop  }
0x11: {  	[tilespmem:s9], [sflag:$0x1] =	stream.linear.gather [hbm4b:s5+s2], $0x200, $0x38;
	[tilespmem:$0x2F08] =	vst v63  }
0x12: {  	_ =	swait.ge [sflag:s10], $0x2904  }
0x13: {  	[sflag:s10] =	ssyncset.done $0x0  }
0x14: {  	[sflag:s10] =	ssyncadd.s32 $0xFFFFD6FC  }
0x15: {  	_ =	swait.ge [sflag:s10], $0x200  }
0x16: {  	[sflag:s10] =	ssyncset.done $0x0  }
0x17: {  	[sflag:s10] =	ssyncadd.s32 $0xFFFFFE00  }
0x18: {  	_ =	swait.ge [sflag:s10], $0x200  }
0x19: {  	[sflag:s10] =	ssyncset.done $0x0  }
0x1a: {  	s14 =	simm.s32 $0x0;
	[sflag:s10] =	ssyncadd.s32 $0xFFFFFE00  }
0x1b: {  	v0 =	vld [tilespmem:s14+$0x2908]  }
0x1c: {  	v1 =	vld [tilespmem:s14+$0x2B08];
	_ =	sdelay $0x3  }
0x1d: {  	v0 =	vmul.u32 $0x3, v0  }
0x1e: {  	v1 =	vmul.u32 $0x3, v1  }
0x1f: {  	s15 =	simm.s32 $0x10;
	v2 =	vadd.s32 $0x1, v0  }
0x20: {  	v3 =	vld [tilespmem:s15+$0x2908];
	v4 =	vadd.s32 $0x1194, v1  }
0x21: {  	v5 =	vld [tilespmem:s15+$0x2B08];
	v6 =	vadd.s32 $0x1195, v1  }
0x22: {  	v7 =	vadd.s32 $0x2, v0  }
0x23: {  	v8 =	vld.idx.msk [tilespmem:v0+s2+$0x0], $0xffff  }
0x24: {  	v9 =	vld.idx.msk [tilespmem:v2+s2+$0x0], $0xffff  }
0x25: {  	v3 =	vmul.u32 $0x3, v3;
	v0 =	vadd.s32 $0x1196, v1;
	v4 =	vld.idx.msk [tilespmem:v4+s2+$0x0], $0xffff  }
0x26: {  	v11 =	vmul.u32 $0x3, v5;
	v5 =	vld.idx.msk [tilespmem:v6+s2+$0x0], $0xffff  }
0x27: {  	s16 =	simm.s32 $0x20;
	v1 =	vadd.s32 $0x1, v3;
	v6 =	vld.idx.msk [tilespmem:v7+s2+$0x0], $0xffff  }
0x28: {  	v12 =	vadd.s32 $0x1194, v11;
	v7 =	vld [tilespmem:s16+$0x2908]  }
0x29: {  	v13 =	vld [tilespmem:s16+$0x2B08];
	v14 =	vadd.s32 $0x1195, v11  }
0x2a: {  	v10 =	vadd.s32 $0x2, v3;
	v2 =	vld.idx.msk [tilespmem:v0+s2+$0x0], $0xffff  }
0x2b: {  	v0 =	vld.idx.msk [tilespmem:v3+s2+$0x0], $0xffff  }
0x2c: {  	v11 =	vadd.s32 $0x1196, v11;
	v1 =	vld.idx.msk [tilespmem:v1+s2+$0x0], $0xffff  }
0x2d: {  	v3 =	vmul.f32 v4, v8;
	v4 =	vmul.f32 v5, v9;
	v5 =	vld.idx.msk [tilespmem:v12+s2+$0x0], $0xffff;
	v9 =	vmul.u32 $0x3, v7  }
0x2e: {  	s17 =	simm.s32 $0xC0;
	v7 =	vmul.u32 $0x3, v13;
	v8 =	vld.idx.msk [tilespmem:v14+s2+$0x0], $0xffff  }
.LBB2_2:
0x2f: {  	s18 =	sshra.s32 s17, $0x2;
	p0 =	sne.s32 s17, $0x7C0;
	s17 =	sadd.s32 $0x40, s17;
	v12 =	vadd.s32 $0x1, v9;
	v13 =	vld.idx.msk [tilespmem:v10+s2+$0x0], $0xffff  }
0x30: {  	v3 =	vadd.f32 v4, v3;
	v4 =	vmul.f32 v2, v6;
	v14 =	vld [tilespmem:s18+$0x2908];
	v15 =	vadd.s32 $0x1194, v7  }
0x31: {  	v17 =	vadd.s32 $0x1195, v7;
	v16 =	vld [tilespmem:s18+$0x2B08]  }
.Ltmp0:
0x32: {  	v10 =	vadd.s32 $0x2, v9;
	v18 =	vadd.f32 v4, v3;
	v2 =	vld.idx.msk [tilespmem:v11+s2+$0x0], $0xffff;
	(pc) =	sbr.rel @p0 .LBB2_2-.Ltmp0, $4  }
0x33: {  	v3 =	vmul.f32 v5, v0;
	v0 =	vld.idx.msk [tilespmem:v9+s2+$0x0], $0xffff  }
0x34: {  	v4 =	vmul.f32 v8, v1;
	v1 =	vld.idx.msk [tilespmem:v12+s2+$0x0], $0xffff;
	[tilespmem:s14+$0x2D08] =	vst v18;
	s14 =	smov.u32 s15;
	s15 =	smov.u32 s16;
	s16 =	smov.u32 s18  }
0x35: {  	v11 =	vadd.s32 $0x1196, v7;
	v6 =	vmov v13;
	v9 =	vmul.u32 $0x3, v14;
	v5 =	vld.idx.msk [tilespmem:v15+s2+$0x0], $0xffff  }
0x36: {  	v7 =	vmul.u32 $0x3, v16;
	v8 =	vld.idx.msk [tilespmem:v17+s2+$0x0], $0xffff  }
0x37: {  	_ =	sdelay $0x1  }
0x38: {  	v12 =	vadd.s32 $0x1, v9  }
0x39: {  	v13 =	vadd.s32 $0x1194, v7  }
0x3a: {  	v10 =	vld.idx.msk [tilespmem:v10+s2+$0x0], $0xffff;
	v14 =	vadd.s32 $0x1195, v7  }
0x3b: {  	v15 =	vadd.s32 $0x2, v9;
	v11 =	vld.idx.msk [tilespmem:v11+s2+$0x0], $0xffff  }
0x3c: {  	v56 =	vld.idx.msk [tilespmem:v9+s2+$0x0], $0xffff;
	v57 =	vadd.s32 $0x1196, v7  }
0x3d: {  	v12 =	vld.idx.msk [tilespmem:v12+s2+$0x0], $0xffff  }
0x3e: {  	v13 =	vld.idx.msk [tilespmem:v13+s2+$0x0], $0xffff  }
0x3f: {  	v14 =	vld.idx.msk [tilespmem:v14+s2+$0x0], $0xffff  }
0x40: {  	v15 =	vld.idx.msk [tilespmem:v15+s2+$0x0], $0xffff  }
0x41: {  	v7 =	vld.idx.msk [tilespmem:v57+s2+$0x0], $0xffff  }
0x42: {  	v2 =	vmul.f32 v2, v6  }
0x43: {  	v0 =	vmul.f32 v5, v0;
	v1 =	vmul.f32 v8, v1  }
0x44: {  	v3 =	vadd.f32 v4, v3;
	v58 =	vmul.f32 v13, v56;
	v59 =	vmul.f32 v14, v12  }
0x45: {  	v60 =	vmul.f32 v11, v10;
	v0 =	vadd.f32 v1, v0  }
0x46: {  	v2 =	vadd.f32 v2, v3;
	v62 =	vmul.f32 v7, v15;
	v61 =	vadd.f32 v59, v58  }
0x47: {  	v0 =	vadd.f32 v60, v0  }
0x48: {  	s13 =	sadd.s32 $0x1, s13;
	[tilespmem:s14+$0x2D08] =	vst v2;
	v63 =	vadd.f32 v62, v61  }
0x49: {  	p0 =	sne.s32 s13, s7;
	[tilespmem:s15+$0x2D08] =	vst v0  }
.Ltmp1:
0x4a: {  	[tilespmem:s16+$0x2D08] =	vst v63;
	(pc) =	sbr.rel @p0 .LBB2_1-.Ltmp1, $4  }
0x4b: {  	[hbm4b:s6+s2] =	stream.linear.scatter [tilespmem:s11], [sflag:$0x2], $0x200, $0x38;
	[tilespmem:$0x2F08] =	vst v63  }
0x4c: {  	_ =	swait.ge [sflag:s12], $0x200  }
0x4d: {  	[sflag:s12] =	ssyncset.done $0x0  }
0x4e: {  	[sflag:s12] =	ssyncadd.s32 $0xFFFFFE00  }
0x4f: {  	_ =	sfence.sel $0x180000  }
0x50: {  	[bflag:$0x0] =	sbarrier.arrive $0xFFFF  }
0x51: {  	p0 =	sne.s32 s1, $0x0;
	_ =	strace $0x90000047  }
0x52: {  	s0 =	sadd.s32 @!p0 $0x100000, s0;
	[bflag:$0x2] =	sbarrier.arrive $0xFFFF  }
0x53: {  	[sflag:s0] =	ssyncadd.tile.s32 @!p0 $0x1;
	_ =	shalt  }
.Lfunc_end2:
_tile_overlayer_lowered:
.L_overlay_start_2:
0x54: {  	(tag) =	ssettag $0x2  }
0x55: {  	s0 =	rddreg [dreg:$0x0];
	s2 =	stileid.u32  }
0x56: {  	s1 =	rddreg [dreg:$0x1];
	p0 =	sne.s32 s2, $0x0  }
0x57: {  	s3 =	rddreg [dreg:$0x2];
	[bflag:$0x3] =	sbarrier.arrive $0xFFFF;
	s2 =	simm.s32 @!p0 $0x1C02  }
0x58: {  	[timem:s3], [sflag:s2] =	dma.local @!p0 [hbm:s0], s1  }
0x59: {  	s0 =	simm.s32 @!p0 $0x2  }
0x5a: {  	_ =	swait.ge @!p0 [sflag:s0], s1  }
0x5b: {  	s1 =	ssub.s32 @!p0 $0x0, s1;
	[sflag:s0] =	ssyncset.done @!p0 $0x0  }
0x5c: {  	[sflag:s0] =	ssyncadd.s32 @!p0 s1  }
0x5d: {  	[bflag:$0x3] =	sbarrier.arrive $0xFFFF  }
0x5e: {  	_ =	shalt  }

</sc_bundles>
